<compile_context>
chip_gen: v7x
topology: tpu7x:2x2x1
jax: 0.10.2.dev20260603
libtpu: 0.0.44.dev20260713+nightly
codegen_flags: <defaults>
</compile_context>

<pallas_src>
import jax
import jax.numpy as jnp
from jax.experimental import pallas as pl

_BB = 1024


def _body(x_ref, m_ref, o_ref):
    d = x_ref.shape[1] // 2
    zero = jnp.zeros((), x_ref.dtype)
    o_ref[:, :d] = jnp.where(m_ref[:, 0:1], x_ref[:, :d], zero)
    o_ref[:, d:] = jnp.where(m_ref[:, 1:2], x_ref[:, d:], zero)


def kernel(x, head_tail_mask):
    b, s, d = x.shape
    x2 = x.reshape(b, s * d)
    return pl.pallas_call(
        _body,
        grid=(b // _BB,),
        in_specs=[
            pl.BlockSpec((_BB, s * d), lambda i: (i, 0)),
            pl.BlockSpec((_BB, s), lambda i: (i, 0)),
        ],
        out_specs=pl.BlockSpec((_BB, s * d), lambda i: (i, 0)),
        out_shape=jax.ShapeDtypeStruct((b, s * d), x.dtype),
    )(x2, head_tail_mask)

# --- scband reference (transcript-rebuilt; emitter-appended) ---
"""Pipeline reference for scband-head-tail-concat-69183333204508 (READ-ONLY COPY).

The authoritative reference and input builder live on the scoring server;
editing this copy changes nothing except your own understanding.
"""

import jax, jax.numpy as jnp
import numpy as np


def setup_inputs(seed: int = 0) -> dict:
    key = jax.random.key(seed)
    B, S, D = 16384, 2, 1024
    x = jax.random.normal(key, (B, S, D), dtype=jnp.float32)
    # masked_select requires exactly 2 True entries per batch row for the
    # reshape(batch, 2*enc_dim) to be valid; with S == 2 an all-ones mask
    # satisfies that exactly (head position + tail position).
    head_tail_mask = jnp.ones((B, S), dtype=bool)
    return {"x": x, "head_tail_mask": head_tail_mask}


def reference(x, head_tail_mask):
    batch_size = x.shape[0]
    enc_dim = x.shape[2]
    # torch: mask.unsqueeze(-1).expand(-1, -1, enc_dim)
    m = jnp.broadcast_to(head_tail_mask[:, :, None], x.shape)
    # torch.masked_select returns a flat 1-D tensor of selected elements;
    # the mask keeps exactly 2*enc_dim elements per batch row (all of them,
    # since S == 2 and the mask is all True), so a fixed-shape masked
    # equivalent is to zero-fill via where and reshape per row.
    sel = jnp.where(m, x, jnp.zeros((), dtype=x.dtype))
    return sel.reshape(batch_size, 2 * enc_dim)

if __name__ == "__main__":
    import jax
    _d = setup_inputs()
    print(jax.jit(kernel)(*tuple(_d.values())))

</pallas_src>

<mosaic_0001>
module attributes {stable_mosaic.version = 14 : i64} {
  func.func @_body(%arg0: i32, %arg1: memref<1024x2048xf32, #tpu.memory_space<vmem>>, %arg2: memref<1024x2xi32, #tpu.memory_space<vmem>>, %arg3: memref<1024x2048xf32, #tpu.memory_space<vmem>>) attributes {dimension_semantics = [#tpu.dimension_semantics<arbitrary>], iteration_bounds = array<i64: 16>, scalar_prefetch = 0 : i64, scratch_operands = 0 : i64, tpu.core_type = #tpu.core_type<tc>, window_params = [{transform_indices = @transform_0, window_bounds = array<i64: 1024, 2048>}, {transform_indices = @transform_1, window_bounds = array<i64: 1024, 2>}, {transform_indices = @transform_2, window_bounds = array<i64: 1024, 2048>}]} {
    %get3A = arith.constant 0 : index
    %get3A_0 = arith.constant 0 : index
    %get3A_1 = vector.load %arg2[%get3A, %get3A_0] : memref<1024x2xi32, #tpu.memory_space<vmem>>, vector<1024x1xi32>
    %get3A_2 = arith.constant dense<0> : vector<1024x1xi32>
    %get3A_3 = arith.cmpi ne, %get3A_1, %get3A_2 : vector<1024x1xi32>
    %get3A_4 = arith.constant 0 : index
    %get3A_5 = arith.constant 0 : index
    %get3A_6 = vector.load %arg1[%get3A_4, %get3A_5] : memref<1024x2048xf32, #tpu.memory_space<vmem>>, vector<1024x1024xf32>
    %jit3A = arith.constant 0.000000e+00 : f32
    %broadcast_in_dim3A = vector.shape_cast %get3A_3 : vector<1024x1xi1> to vector<1024x1xi1>
    %broadcast_in_dim3A_7 = vector.broadcast %broadcast_in_dim3A : vector<1024x1xi1> to vector<1024x1024xi1>
    %broadcast_in_dim3A_8 = vector.broadcast %jit3A : f32 to vector<1024x1024xf32>
    %select_n3A = arith.select %broadcast_in_dim3A_7, %get3A_6, %broadcast_in_dim3A_8 : vector<1024x1024xi1>, vector<1024x1024xf32>
    %swap3A = arith.constant 0 : index
    %swap3A_9 = arith.constant 0 : index
    %swap3A_10 = vector.load %arg3[%swap3A, %swap3A_9] : memref<1024x2048xf32, #tpu.memory_space<vmem>>, vector<1024x1024xf32>
    tpu.vector_store %arg3[%swap3A, %swap3A_9], %select_n3A {strides = array<i32>} : memref<1024x2048xf32, #tpu.memory_space<vmem>>, vector<1024x1024xf32>,
    %get3A_11 = arith.constant 0 : index
    %get3A_12 = arith.constant 1 : index
    %get3A_13 = vector.load %arg2[%get3A_11, %get3A_12] : memref<1024x2xi32, #tpu.memory_space<vmem>>, vector<1024x1xi32>
    %get3A_14 = arith.constant dense<0> : vector<1024x1xi32>
    %get3A_15 = arith.cmpi ne, %get3A_13, %get3A_14 : vector<1024x1xi32>
    %get3A_16 = arith.constant 0 : index
    %get3A_17 = arith.constant 1024 : index
    %get3A_18 = vector.load %arg1[%get3A_16, %get3A_17] : memref<1024x2048xf32, #tpu.memory_space<vmem>>, vector<1024x1024xf32>
    %jit3A_19 = arith.constant 0.000000e+00 : f32
    %broadcast_in_dim3A_20 = vector.shape_cast %get3A_15 : vector<1024x1xi1> to vector<1024x1xi1>
    %broadcast_in_dim3A_21 = vector.broadcast %broadcast_in_dim3A_20 : vector<1024x1xi1> to vector<1024x1024xi1>
    %broadcast_in_dim3A_22 = vector.broadcast %jit3A_19 : f32 to vector<1024x1024xf32>
    %select_n3A_23 = arith.select %broadcast_in_dim3A_21, %get3A_18, %broadcast_in_dim3A_22 : vector<1024x1024xi1>, vector<1024x1024xf32>
    %swap3A_24 = arith.constant 0 : index
    %swap3A_25 = arith.constant 1024 : index
    %swap3A_26 = vector.load %arg3[%swap3A_24, %swap3A_25] : memref<1024x2048xf32, #tpu.memory_space<vmem>>, vector<1024x1024xf32>
    tpu.vector_store %arg3[%swap3A_24, %swap3A_25], %select_n3A_23 {strides = array<i32>} : memref<1024x2048xf32, #tpu.memory_space<vmem>>, vector<1024x1024xf32>,
    return
  }
  func.func @transform_0(%arg0: i32) -> (i32, i32) {
    %c0_i32 = arith.constant 0 : i32
    %c0_i32_0 = arith.constant 0 : i32
    return %arg0, %c0_i32 : i32, i32
  }
  func.func @transform_1(%arg0: i32) -> (i32, i32) {
    %c0_i32 = arith.constant 0 : i32
    %c0_i32_0 = arith.constant 0 : i32
    return %arg0, %c0_i32 : i32, i32
  }
  func.func @transform_2(%arg0: i32) -> (i32, i32) {
    %c0_i32 = arith.constant 0 : i32
    %c0_i32_0 = arith.constant 0 : i32
    return %arg0, %c0_i32 : i32, i32
  }
}

</mosaic_0001>

<sc_bundles>
// kernel: sparse-core-data-format-call.cloned.1.call-start
scs
called_computation_lowered:
.L_overlay_start_0:
0x0: {  	s2 =	sld [smem:$0x3FD9]  }
0x1: {  	s3 =	sld [smem:$0x3FFE];
	_ =	sdelay $0x1  }
0x2: {  	s1 =	srdreg.scid  }
0x3: {  	s0 =	sand.u32 $0x1, s1  }
0x4: {  	s18 =	sshll.u32 s0, $0xA;
	s2 =	sadd.s32 s3, s2  }
0x5: {  	s2 =	sadd.s32 s2, s18  }
0x6: {  	[smem:$0x3FC6] =	sst s2  }
0x7: {  	_ = 	snop  }
0x8: {  	s2 =	sld [smem:$0x3FC9];
	(tm) =	ssettm $0x1  }
0x9: {  	s19 =	sld [smem:$0x3FFB];
	_ =	sdelay $0x3  }
0xa: {  	_ =	strace s19  }
0xb: {  	s3 =	sld [smem:$0x3FFC];
	_ =	sdelay $0x3  }
0xc: {  	_ =	strace s3  }
0xd: {  	s3 =	sld [smem:$0x3FFD];
	_ =	sdelay $0x3  }
0xe: {  	_ =	strace s3  }
0xf: {  	_ =	strace $0x8FFFFFFF  }
0x10: {  	s20 =	sld [smem:$0x3FDB];
	_ =	sdelay $0x1  }
0x11: {  	s4 =	simm.s32 $_scs_section_size  }
0x12: {  	s5 =	simm.s32 $_size__tile_overlayer_lowered;
	s6 =	simm.s32 $_tile_overlayer_lowered  }
0x13: {  	s23 =	simm.s32 $0x1BFF;
	s22 =	sshll.u32 s6, $0x1;
	s3 =	sadd.s32 s4, s20  }
0x14: {  	s7 =	simm.s32 $0x0;
	s21 =	sshll.u32 s5, $0x1;
	s5 =	sadd.s32 s22, s3  }
0x15: {  	[timem:s7], [sflag:s23] =	dma.local [hbm:s5], s21  }
0x16: {  	_ =	swait.ge [sflag:s23], s21  }
0x17: {  	s4 =	ssub.s32 $0x0, s21;
	[sflag:s23] =	ssyncset.done $0x0  }
0x18: {  	[sflag:s23] =	ssyncadd.s32 s4;
	_ =	sdelay $0x1  }
0x19: {  	s24 =	simm.s32 $0x1B8B  }
0x1a: {  	_ =	swait.ge [sflag:s24], $0x1  }
0x1b: {  	[sflag:s24] =	ssyncset.done $0x0  }
0x1c: {  	s26 =	simm.s32 $0x1B8E;
	s25 =	sld [smem:$0x3FFE];
	[sflag:s24] =	ssyncadd.s32 $0xFFFFFFFF  }
0x1d: {  	s27 =	simm.s32 $execute0_lowered;
	[smem:$0x3FD2] =	sst s26  }
0x1e: {  	s5 =	sshll.u32 s27, $0x1;
	_ =	strace $0x80000046;
	[dreg:$0x1] =	wrdreg $0xFFFFFFFF  }
0x1f: {  	s28 =	simm.s32 $_size_execute0_lowered;
	s3 =	sadd.s32 s3, s5;
	[dreg:$0x0] =	wrdreg $0x0  }
0x20: {  	s5 =	sshll.u32 s28, $0x1;
	[dreg:$0x2] =	wrdreg s3  }
0x21: {  	[dreg:$0x3] =	wrdreg s5  }
0x22: {  	[dreg:$0x4] =	wrdreg $0xC0  }
0x23: {  	_ =	task [dreg:s7], $0x5FFFF  }
0x24: {  	[dreg:$0x1] =	wrdreg $0xFFFFFFFF  }
0x25: {  	[dreg:$0x0] =	wrdreg $0x60  }
0x26: {  	[dreg:$0x2] =	wrdreg s2  }
0x27: {  	[dreg:$0x3] =	wrdreg s25  }
0x28: {  	[dreg:$0x4] =	wrdreg $0x9  }
0x29: {  	_ =	task.clear_ibuf [dreg:s7], $0x5FFFF;
	_ =	strace $0x90000046  }
0x2a: {  	s29 =	simm.s32 $0x9;
	_ =	strace $0x80000048  }
0x2b: {  	_ =	swait.ge [sflag:s29], $0x1  }
0x2c: {  	[sflag:s29] =	ssyncadd.s32 $0xFFFFFFFF  }
0x2d: {  	_ =	strace $0x90000048  }
0x2e: {  	_ =	sfence  }
0x2f: {  	s30 =	sld [smem:$0x0];
	_ =	sdelay $0x2  }
0x30: {  	s31 =	sshll.u32 s1, $0xD;
	s1 =	sshrl.u32 s1, $0x2  }
0x31: {  	s3 =	sand.u32 $0x4000, s31;
	s1 =	sadd.s32 s1, s30  }
0x32: {  	s0 =	sor.u32 s3, s0;
	s1 =	sshll.u32 s1, $0x11  }
0x33: {  	s0 =	sor.u32 s1, s0  }
0x34: {  	s0 =	sadd.s32 $0x8F2B, s0  }
0x35: {  	[sflag:s0] =	ssyncadd.remote.s32 $0x1  }
0x36: {  	_ =	sfence.sel $0xFFFF  }
0x37: {  	[dreg:$0x0] =	wrdreg $0xFFFFFFFF;
	(pc) =	sbr.abs _section_cstart, $3  }
0x38: {  	[dreg:$0x1] =	wrdreg $0xFFFFFFFF  }
0x39: {  	_ =	task.clear_ibuf [dreg:s7], $0x2FFFF;
	_ =	strace $0x9FFFFFFF  }
0x3a: {  	(tm) =	ssettm $0x7FFFFFFF  }
0x3b: {  	_ =	shalt  }
tec
execute0_lowered:
.L_overlay_start_1:
0x0: {  	(tag) =	ssettag $0x1  }
0x1: {  	s2 =	rddreg [dreg:$0x0]  }
0x2: {  	s4 =	rddreg [dreg:$0x1]  }
0x3: {  	s0 =	rddreg [dreg:$0x2];
	s3 =	srdreg.scid  }
.Ltmp0:
0x4: {  	_ =	strace $0x80000047;
	s1 =	stileid.u32;
	(pc) =	sbr.rel .LBB1_1-.Ltmp0, $4  }
0x5: {  	s6 =	simm.s32 $0x2;
	s9 =	simm.s32 $0x0;
	s5 =	sshll.u32 s3, $0x4  }
0x6: {  	s7 =	simm.s32 $0x0;
	s3 =	simm.s32 $0x1;
	s5 =	sand.u32 $0x10, s5  }
0x7: {  	s4 =	sadd.s32 $0x600, s4;
	[sflag:s3] =	ssyncpa.u1 $0x0;
	s5 =	sor.u32 s1, s5  }
0x8: {  	[sflag:s6] =	ssyncpa.u1 $0x0;
	s6 =	simm.s32 $0x0;
	s8 =	smov.u32 s5  }
.LBB1_9:
0x9: {  	s11 =	sadd.s32 $0x20, s8  }
0xa: {  	p0 =	slt.u32 s7, $0x2;
	s7 =	sadd.s32 $0x1, s7;
	p1 =	sgt.s32 s11, $0x7FF  }
0xb: {  	s11 =	smov.u32 @p1 s5;
	p1 =	sne.s32 s7, $0x42  }
.Ltmp1:
0xc: {  	_ = 	snop;
	(pc) =	sbr.rel @!p1 .LBB1_10-.Ltmp1, $4  }
0xd: {  	s10 =	simm.s32 @!p0 $0x2  }
0xe: {  	_ =	swait.ge @!p0 [sflag:s10], $0x4000  }
0xf: {  	[sflag:s10] =	ssyncset.done @!p0 $0x0  }
0x10: {  	s9 =	smov.u32 s8;
	s8 =	smov.u32 s11;
	[sflag:s10] =	ssyncadd.s32 @!p0 $0xFFFFC000  }
.LBB1_1:
0x11: {  	p0 =	sgt.u32 s7, $0x3F  }
0x12: {  	s10 =	sxor.u32 @!p0 $0xFFFFFFFF, s7  }
0x13: {  	s11 =	sshll.u32 @!p0 s8, $0xB;
	s10 =	sshll.u32 @!p0 s10, $0xE  }
0x14: {  	s12 =	simm.s32 @!p0 $0x0;
	s11 =	sadd.s32 @!p0 s2, s11;
	s10 =	sand.u32 @!p0 $0x4000, s10  }
0x15: {  	[tilespmem:s10], [sflag:$0x1] =	stream.linear.gather @!p0 [hbm4b:s11+s12], $0x4000, $0x38;
	[tilespmem:$0x10000] =	vst v63  }
0x16: {  	p0 =	seq.s32 s7, $0x0  }
0x17: {  	p1 =	seq.s32 @!p0 s7, $0x41  }
0x18: {  	p0 =	por p0, p1  }
.Ltmp2:
0x19: {  	_ = 	snop;
	(pc) =	sbr.rel @p0 .LBB1_9-.Ltmp2, $1  }
0x1a: {  	_ =	sdelay $0x3  }
0x1b: {  	_ =	swait.ge [sflag:s3], $0x4000;
	s10 =	sshll.u32 s7, $0xE  }
0x1c: {  	[sflag:s3] =	ssyncset.done $0x0;
	s11 =	sand.u32 $0x4000, s10  }
0x1d: {  	s12 =	simm.s32 $0x0;
	[sflag:s3] =	ssyncadd.s32 $0xFFFFC000;
	s10 =	sor.u32 $0x8000, s11  }
.LBB1_3:
0x1e: {  	s15 =	sshll.u32 s12, $0xB  }
0x1f: {  	s16 =	sshll.u32 s12, $0x7;
	p1 =	por $0x1, $0x1;
	v1 =	vmov s15  }
0x20: {  	s13 =	sadd.s32 s15, s11;
	s14 =	sadd.s32 s16, s10;
	v0 =	vmov s16;
	s15 =	simm.s32 $0x0  }
.LBB1_4:
0x21: {  	s16 =	sshll.u32 s15, $0x7  }
0x22: {  	s19 =	sadd.s32 s16, s13  }
0x23: {  	v2 =	vmov s19  }
0x24: {  	s18 =	sshll.u32 s15, $0xD;
	p0 =	por p1, p1;
	s17 =	simm.s32 $0x0  }
0x25: {  	p1 =	por $0x1, $0x1;
	s15 =	sadd.s32 s18, s10;
	s16 =	sadd.s32 s16, s11;
	v3 =	vmov s18  }
.LBB1_5:
0x26: {  	s17 =	sshll.u32 s17, $0x3  }
0x27: {  	s18 =	sshra.s32 s17, $0x2  }
0x28: {  	v4 =	vld.idx.msk [tilespmem:v2+s18+$0x0 ss:$0x1], $0xffff;
	s18 =	sadd.s32 s18, s16  }
0x29: {  	v5 =	vld.idx.msk [tilespmem:v1+s18+$0x10 ss:$0x1], $0xffff  }
0x2a: {  	v6 =	vld.idx.msk [tilespmem:v1+s18+$0x20 ss:$0x1], $0xffff  }
0x2b: {  	s17 =	sand.u32 $0x3FFFFFF8, s17;
	v7 =	vld.idx.msk [tilespmem:v1+s18+$0x30 ss:$0x1], $0xffff  }
0x2c: {  	s19 =	sadd.s32 s17, s15;
	v8 =	vld.idx.msk [tilespmem:v1+s18+$0x40 ss:$0x1], $0xffff  }
0x2d: {  	s17 =	sadd.s32 s17, s14;
	[tilespmem:v0+s19+$0x0 ss:$0x1] =	vst.idx.msk $0xffff, v4;
	v4 =	vld.idx.msk [tilespmem:v1+s18+$0x50 ss:$0x1], $0xffff  }
0x2e: {  	[tilespmem:v3+s17+$0x10 ss:$0x1] =	vst.idx.msk $0xffff, v5;
	v5 =	vld.idx.msk [tilespmem:v1+s18+$0x60 ss:$0x1], $0xffff  }
0x2f: {  	v49 =	vld.idx.msk [tilespmem:v1+s18+$0x70 ss:$0x1], $0xffff;
	[tilespmem:v3+s17+$0x20 ss:$0x1] =	vst.idx.msk $0xffff, v6  }
0x30: {  	v50 =	vld.idx.msk [tilespmem:v1+s18+$0x100 ss:$0x1], $0xffff;
	[tilespmem:v3+s17+$0x30 ss:$0x1] =	vst.idx.msk $0xffff, v7  }
0x31: {  	v51 =	vld.idx.msk [tilespmem:v1+s18+$0x110 ss:$0x1], $0xffff;
	[tilespmem:v3+s17+$0x40 ss:$0x1] =	vst.idx.msk $0xffff, v8  }
0x32: {  	[tilespmem:v3+s17+$0x50 ss:$0x1] =	vst.idx.msk $0xffff, v4;
	v4 =	vld.idx.msk [tilespmem:v1+s18+$0x120 ss:$0x1], $0xffff  }
0x33: {  	[tilespmem:v3+s17+$0x60 ss:$0x1] =	vst.idx.msk $0xffff, v5;
	v5 =	vld.idx.msk [tilespmem:v1+s18+$0x130 ss:$0x1], $0xffff  }
0x34: {  	v52 =	vld.idx.msk [tilespmem:v1+s18+$0x140 ss:$0x1], $0xffff;
	[tilespmem:v3+s17+$0x70 ss:$0x1] =	vst.idx.msk $0xffff, v49  }
0x35: {  	v53 =	vld.idx.msk [tilespmem:v1+s18+$0x150 ss:$0x1], $0xffff;
	[tilespmem:v0+s19+$0x400 ss:$0x1] =	vst.idx.msk $0xffff, v50  }
0x36: {  	v54 =	vld.idx.msk [tilespmem:v1+s18+$0x160 ss:$0x1], $0xffff;
	[tilespmem:v3+s17+$0x410 ss:$0x1] =	vst.idx.msk $0xffff, v51  }
0x37: {  	[tilespmem:v3+s17+$0x420 ss:$0x1] =	vst.idx.msk $0xffff, v4;
	v4 =	vld.idx.msk [tilespmem:v1+s18+$0x170 ss:$0x1], $0xffff  }
0x38: {  	[tilespmem:v3+s17+$0x430 ss:$0x1] =	vst.idx.msk $0xffff, v5;
	v5 =	vld.idx.msk [tilespmem:v1+s18+$0x200 ss:$0x1], $0xffff  }
0x39: {  	v55 =	vld.idx.msk [tilespmem:v1+s18+$0x210 ss:$0x1], $0xffff;
	[tilespmem:v3+s17+$0x440 ss:$0x1] =	vst.idx.msk $0xffff, v52  }
0x3a: {  	v56 =	vld.idx.msk [tilespmem:v1+s18+$0x220 ss:$0x1], $0xffff;
	[tilespmem:v3+s17+$0x450 ss:$0x1] =	vst.idx.msk $0xffff, v53  }
0x3b: {  	v57 =	vld.idx.msk [tilespmem:v1+s18+$0x230 ss:$0x1], $0xffff;
	[tilespmem:v3+s17+$0x460 ss:$0x1] =	vst.idx.msk $0xffff, v54  }
0x3c: {  	[tilespmem:v3+s17+$0x470 ss:$0x1] =	vst.idx.msk $0xffff, v4;
	v4 =	vld.idx.msk [tilespmem:v1+s18+$0x240 ss:$0x1], $0xffff  }
0x3d: {  	[tilespmem:v0+s19+$0x800 ss:$0x1] =	vst.idx.msk $0xffff, v5;
	v5 =	vld.idx.msk [tilespmem:v1+s18+$0x250 ss:$0x1], $0xffff  }
0x3e: {  	v58 =	vld.idx.msk [tilespmem:v1+s18+$0x260 ss:$0x1], $0xffff;
	[tilespmem:v3+s17+$0x810 ss:$0x1] =	vst.idx.msk $0xffff, v55  }
0x3f: {  	v59 =	vld.idx.msk [tilespmem:v1+s18+$0x270 ss:$0x1], $0xffff;
	[tilespmem:v3+s17+$0x820 ss:$0x1] =	vst.idx.msk $0xffff, v56  }
0x40: {  	v60 =	vld.idx.msk [tilespmem:v1+s18+$0x300 ss:$0x1], $0xffff;
	[tilespmem:v3+s17+$0x830 ss:$0x1] =	vst.idx.msk $0xffff, v57  }
0x41: {  	[tilespmem:v3+s17+$0x840 ss:$0x1] =	vst.idx.msk $0xffff, v4;
	v4 =	vld.idx.msk [tilespmem:v1+s18+$0x310 ss:$0x1], $0xffff  }
0x42: {  	[tilespmem:v3+s17+$0x850 ss:$0x1] =	vst.idx.msk $0xffff, v5;
	v5 =	vld.idx.msk [tilespmem:v1+s18+$0x320 ss:$0x1], $0xffff  }
0x43: {  	v61 =	vld.idx.msk [tilespmem:v1+s18+$0x330 ss:$0x1], $0xffff;
	[tilespmem:v3+s17+$0x860 ss:$0x1] =	vst.idx.msk $0xffff, v58  }
0x44: {  	v62 =	vld.idx.msk [tilespmem:v1+s18+$0x340 ss:$0x1], $0xffff;
	[tilespmem:v3+s17+$0x870 ss:$0x1] =	vst.idx.msk $0xffff, v59  }
0x45: {  	v63 =	vld.idx.msk [tilespmem:v1+s18+$0x350 ss:$0x1], $0xffff;
	[tilespmem:v0+s19+$0xC00 ss:$0x1] =	vst.idx.msk $0xffff, v60  }
0x46: {  	[tilespmem:v3+s17+$0xC10 ss:$0x1] =	vst.idx.msk $0xffff, v4;
	v4 =	vld.idx.msk [tilespmem:v1+s18+$0x360 ss:$0x1], $0xffff  }
0x47: {  	p2 =	por p1, p1;
	[tilespmem:v3+s17+$0xC20 ss:$0x1] =	vst.idx.msk $0xffff, v5;
	v5 =	vld.idx.msk [tilespmem:v1+s18+$0x370 ss:$0x1], $0xffff  }
.Ltmp3:
0x48: {  	[tilespmem:v3+s17+$0xC30 ss:$0x1] =	vst.idx.msk $0xffff, v61;
	(pc) =	sbr.rel @p2 .LBB1_5-.Ltmp3, $4  }
0x49: {  	[tilespmem:v3+s17+$0xC40 ss:$0x1] =	vst.idx.msk $0xffff, v62  }
0x4a: {  	[tilespmem:v3+s17+$0xC50 ss:$0x1] =	vst.idx.msk $0xffff, v63  }
0x4b: {  	[tilespmem:v3+s17+$0xC60 ss:$0x1] =	vst.idx.msk $0xffff, v4  }
0x4c: {  	p1 =	por $0x0, $0x0;
	[tilespmem:v3+s17+$0xC70 ss:$0x1] =	vst.idx.msk $0xffff, v5;
	s17 =	simm.s32 $0x200  }
.Ltmp4:
0x4d: {  	(pc) =	sbr.rel @p0 .LBB1_4-.Ltmp4, $2  }
0x4e: {  	_ =	sdelay $0x2  }
0x4f: {  	s15 =	simm.s32 $0x1;
	p1 =	por $0x0, $0x0  }
0x50: {  	s12 =	sadd.s32 $0x1, s12  }
0x51: {  	p0 =	sne.s32 s12, $0x8  }
.Ltmp5:
0x52: {  	_ = 	snop;
	(pc) =	sbr.rel @p0 .LBB1_3-.Ltmp5, $1  }
0x53: {  	_ =	sdelay $0x3  }
.Ltmp6:
0x54: {  	(pc) =	sbr.rel .LBB1_9-.Ltmp6, $4  }
0x55: {  	_ = 	snop  }
0x56: {  	s9 =	sshll.u32 s9, $0xB  }
0x57: {  	s9 =	sadd.s32 s4, s9  }
0x58: {  	[hbm4b:s9+s6] =	stream.linear.scatter [tilespmem:s10], [sflag:$0x2], $0x4000, $0x38;
	[tilespmem:$0x10000] =	vst v63  }
.LBB1_10:
0x59: {  	_ =	sfence.sel $0x180000  }
0x5a: {  	s2 =	simm.s32 $0x1;
	[bflag:$0x0] =	sbarrier.arrive $0xFFFF  }
0x5b: {  	s31 =	simm.s32 $0x2;
	[sflag:s2] =	ssyncpa.u1 $0x1  }
0x5c: {  	[sflag:s31] =	ssyncpa.u1 $0x1  }
0x5d: {  	p0 =	sne.s32 s1, $0x0;
	_ =	strace $0x90000047  }
0x5e: {  	s0 =	sadd.s32 @!p0 $0x100000, s0;
	[bflag:$0x2] =	sbarrier.arrive $0xFFFF  }
0x5f: {  	[sflag:s0] =	ssyncadd.tile.s32 @!p0 $0x1;
	_ =	shalt  }
.Lfunc_end1:
_tile_overlayer_lowered:
.L_overlay_start_2:
0x60: {  	(tag) =	ssettag $0x2  }
0x61: {  	s0 =	rddreg [dreg:$0x0];
	s2 =	stileid.u32  }
0x62: {  	s1 =	rddreg [dreg:$0x1];
	p0 =	sne.s32 s2, $0x0  }
0x63: {  	s3 =	rddreg [dreg:$0x2];
	[bflag:$0x3] =	sbarrier.arrive $0xFFFF;
	s2 =	simm.s32 @!p0 $0x1C01  }
0x64: {  	[timem:s3], [sflag:s2] =	dma.local @!p0 [hbm:s0], s1  }
0x65: {  	s0 =	simm.s32 @!p0 $0x1  }
0x66: {  	_ =	swait.ge @!p0 [sflag:s0], s1  }
0x67: {  	s1 =	ssub.s32 @!p0 $0x0, s1;
	[sflag:s0] =	ssyncset.done @!p0 $0x0  }
0x68: {  	[sflag:s0] =	ssyncadd.s32 @!p0 s1  }
0x69: {  	[bflag:$0x3] =	sbarrier.arrive $0xFFFF  }
0x6a: {  	_ =	shalt  }

</sc_bundles>
